<compile_context>
chip_gen: v7x
topology: tpu7x:2x2x1
jax: 0.10.2.dev20260603
libtpu: 0.0.44.dev20260713+nightly
codegen_flags: <defaults>
</compile_context>

<pallas_src>
import functools

import jax
import jax.numpy as jnp
from jax import lax
from jax.experimental import pallas as pl
from jax.experimental.pallas import tpu as pltpu
from jax.experimental.pallas import tpu_sc as plsc

_LANES = 16


def _make_sc_gather_mean_t(batch, ctx_len, vocab, d):
    info = plsc.get_sparse_core_info()
    nw = info.num_cores * info.num_subcores
    f_per_w = d // nw
    nb16 = batch // _LANES
    mesh = plsc.VectorSubcoreMesh(core_axis_name="c", subcore_axis_name="s")

    @functools.partial(
        pl.kernel,
        mesh=mesh,
        compiler_params=pltpu.CompilerParams(
            use_tc_tiling_on_sc=True, needs_layout_passes=False
        ),
        out_type=jax.ShapeDtypeStruct((d, batch), jnp.float32),
        scratch_types=[
            pltpu.VMEM((ctx_len, batch), jnp.int32),
            pltpu.VMEM((vocab,), jnp.float32),
            pltpu.VMEM((batch,), jnp.float32),
        ],
    )
    def sc_kernel(ctxt_hbm, tablet_hbm, out_hbm, idx_v, row_v, acc_v):
        wid = lax.axis_index("s") * info.num_cores + lax.axis_index("c")
        pltpu.sync_copy(ctxt_hbm, idx_v)
        inv = jnp.float32(1.0 / ctx_len)

        for ff in range(f_per_w):
            f = wid * f_per_w + ff
            pltpu.sync_copy(tablet_hbm.at[f], row_v)

            def body(b0, carry):
                sl = pl.ds(b0 * _LANES, _LANES)
                vals = [
                    plsc.load_gather(row_v, [idx_v[t, sl]])
                    for t in range(ctx_len)
                ]
                while len(vals) > 1:
                    nxt = [
                        vals[k] + vals[k + 1]
                        for k in range(0, len(vals) - 1, 2)
                    ]
                    if len(vals) % 2:
                        nxt.append(vals[-1])
                    vals = nxt
                acc_v[sl] = vals[0] * inv
                return carry

            lax.fori_loop(0, nb16, body, 0)
            pltpu.sync_copy(acc_v, out_hbm.at[f])

    return sc_kernel


def _projection_t(mean_t, wt, brow, vb):
    d, batch = mean_t.shape
    vocab = wt.shape[1]

    def mm(x_ref, w_ref, b_ref, o_ref):
        o_ref[...] = lax.dot_general(
            w_ref[...], x_ref[...], (((0,), (0,)), ((), ())),
            preferred_element_type=jnp.float32,
        ) + b_ref[...].T

    return pl.pallas_call(
        mm,
        grid=(pl.cdiv(vocab, vb),),
        in_specs=[
            pl.BlockSpec((d, batch), lambda j: (0, 0)),
            pl.BlockSpec((d, vb), lambda j: (0, j)),
            pl.BlockSpec((1, vb), lambda j: (0, j)),
        ],
        out_specs=pl.BlockSpec((vb, batch), lambda j: (j, 0)),
        out_shape=jax.ShapeDtypeStruct((vocab, batch), jnp.float32),
        compiler_params=pltpu.CompilerParams(
            vmem_limit_bytes=100 * 1024 * 1024,
        ),
    )(mean_t, wt, brow)


def kernel(context, emb_table, W, b):
    batch, ctx_len = context.shape
    vocab, d = emb_table.shape
    ctxt = context.astype(jnp.int32).T
    mean_t = _make_sc_gather_mean_t(batch, ctx_len, vocab, d)(
        ctxt, emb_table.T
    )
    out_t = _projection_t(mean_t, W.T, b.reshape(1, -1), 4096)
    return out_t.T

# --- scband reference (transcript-rebuilt; emitter-appended) ---
"""Pipeline reference for scband-cbowmodel-56770877718919 (READ-ONLY COPY).

The authoritative reference and input builder live on the scoring server;
editing this copy changes nothing except your own understanding.
"""

import jax, jax.numpy as jnp
import numpy as np

VOCAB = 100000
EMBED_DIM = 64
BATCH = 1024
CTX_LEN = 20

def _xavier_uniform(key, shape):
    fan_in, fan_out = shape[1], shape[0]
    a = float(np.sqrt(6.0 / (fan_in + fan_out)))
    return jax.random.uniform(key, shape, dtype=jnp.float32, minval=-a, maxval=a)

def setup_inputs(seed: int = 0) -> dict:
    key = jax.random.key(seed)
    k1, k2, k3 = jax.random.split(key, 3)
    context = jax.random.randint(k1, (BATCH, CTX_LEN), 0, VOCAB, dtype=jnp.int64 if jax.config.jax_enable_x64 else jnp.int32)
    emb_table = _xavier_uniform(k2, (VOCAB, EMBED_DIM))
    W = _xavier_uniform(k3, (VOCAB, EMBED_DIM))  # projection weight (out_features, in_features)
    b = jnp.zeros((VOCAB,), dtype=jnp.float32)
    return {"context": context, "emb_table": emb_table, "W": W, "b": b}

def reference(context, emb_table, W, b):
    # embeds = self.embeddings(context)
    embeds = jnp.take(emb_table, context, axis=0)  # [B, L, D]
    # mean_embeds = embeds.mean(dim=1)
    mean_embeds = jnp.mean(embeds, axis=1)  # [B, D]
    # out = self.projection(mean_embeds)
    out = mean_embeds @ W.T + b  # [B, V]
    return out

if __name__ == "__main__":
    import jax
    _d = setup_inputs()
    print(jax.jit(kernel)(*tuple(_d.values())))

</pallas_src>

<mosaic_0001>
#map = affine_map<(d0, d1) -> (0, 0)>
module attributes {stable_mosaic.version = 14 : i64} {
  func.func @sc_kernel(%arg0: i32, %arg1: i32, %arg2: memref<20x1024xi32, #tpu.memory_space<hbm>>, %arg3: memref<64x100000xf32, #tpu.memory_space<hbm>>, %arg4: memref<64x1024xf32, #tpu.memory_space<hbm>>, %arg5: memref<20x1024xi32, #tpu.memory_space<vmem>>, %arg6: memref<100000xf32, #tpu.memory_space<vmem>>, %arg7: memref<1024xf32, #tpu.memory_space<vmem>>) attributes {dimension_semantics = [#tpu.dimension_semantics<core_parallel>, #tpu.dimension_semantics<subcore_parallel>], iteration_bounds = array<i64: 2, 16>, scalar_prefetch = 0 : i64, scratch_operands = 3 : i64, tpu.core_type = #tpu.core_type<sc_vector_subcore>, window_params = [{transform_indices = #map}, {transform_indices = #map}, {transform_indices = #map}]} {
    %mul3A = arith.constant 2 : i32
    %mul3A_0 = arith.muli %arg1, %mul3A : i32
    %add3A = arith.addi %mul3A_0, %arg0 : i32
    "tpu.region"() ({
      %run_scoped3A = tpu.sem_alloc : memref<!tpu.dma_semaphore, #tpu.memory_space<semaphore_mem>>
      tpu.enqueue_dma source(%arg2 : memref<20x1024xi32, #tpu.memory_space<hbm>>) target(%arg5 : memref<20x1024xi32, #tpu.memory_space<vmem>>) target_semaphore(%run_scoped3A : memref<!tpu.dma_semaphore, #tpu.memory_space<semaphore_mem>>)
      tpu.wait_dma2 semaphore(%run_scoped3A : memref<!tpu.dma_semaphore, #tpu.memory_space<semaphore_mem>>) src(%arg2 : memref<20x1024xi32, #tpu.memory_space<hbm>>) dst(%arg5 : memref<20x1024xi32, #tpu.memory_space<vmem>>)
      tpu.yield
    }) : () -> ()
    %mul3A_1 = arith.constant 2 : i32
    %mul3A_2 = arith.muli %add3A, %mul3A_1 : i32
    %add3A_3 = arith.constant 0 : i32
    %add3A_4 = arith.addi %mul3A_2, %add3A_3 : i32
    "tpu.region"() ({
      %run_scoped3A = tpu.sem_alloc : memref<!tpu.dma_semaphore, #tpu.memory_space<semaphore_mem>>
      %dma_start3A = arith.constant 0 : i32
      %dma_start3A_22 = tpu.memref_slice %arg3[%add3A_4, %dma_start3A] : memref<64x100000xf32, #tpu.memory_space<hbm>> -> memref<1x100000xf32, #tpu.memory_space<hbm>>
      %dma_start3A_23 = tpu.memref_squeeze %dma_start3A_22 : memref<1x100000xf32, #tpu.memory_space<hbm>> -> memref<100000xf32, #tpu.memory_space<hbm>>
      %dma_start3A_24 = arith.constant 0 : i32
      %dma_start3A_25 = tpu.memref_slice %arg3[%add3A_4, %dma_start3A_24] : memref<64x100000xf32, #tpu.memory_space<hbm>> -> memref<1x100000xf32, #tpu.memory_space<hbm>>
      %dma_start3A_26 = tpu.memref_squeeze %dma_start3A_25 : memref<1x100000xf32, #tpu.memory_space<hbm>> -> memref<100000xf32, #tpu.memory_space<hbm>>
      tpu.enqueue_dma source(%dma_start3A_26 : memref<100000xf32, #tpu.memory_space<hbm>>) target(%arg6 : memref<100000xf32, #tpu.memory_space<vmem>>) target_semaphore(%run_scoped3A : memref<!tpu.dma_semaphore, #tpu.memory_space<semaphore_mem>>)
      %dma_wait3A = arith.constant 0 : i32
      %dma_wait3A_27 = tpu.memref_slice %arg3[%add3A_4, %dma_wait3A] : memref<64x100000xf32, #tpu.memory_space<hbm>> -> memref<1x100000xf32, #tpu.memory_space<hbm>>
      %dma_wait3A_28 = tpu.memref_squeeze %dma_wait3A_27 : memref<1x100000xf32, #tpu.memory_space<hbm>> -> memref<100000xf32, #tpu.memory_space<hbm>>
      %dma_wait3A_29 = arith.constant 0 : i32
      %dma_wait3A_30 = tpu.memref_slice %arg3[%add3A_4, %dma_wait3A_29] : memref<64x100000xf32, #tpu.memory_space<hbm>> -> memref<1x100000xf32, #tpu.memory_space<hbm>>
      %dma_wait3A_31 = tpu.memref_squeeze %dma_wait3A_30 : memref<1x100000xf32, #tpu.memory_space<hbm>> -> memref<100000xf32, #tpu.memory_space<hbm>>
      tpu.wait_dma2 semaphore(%run_scoped3A : memref<!tpu.dma_semaphore, #tpu.memory_space<semaphore_mem>>) src(%dma_wait3A_31 : memref<100000xf32, #tpu.memory_space<hbm>>) dst(%arg6 : memref<100000xf32, #tpu.memory_space<vmem>>)
      tpu.yield
    }) : () -> ()
    %scan3A = arith.constant 0 : i32
    %scan3A_5 = arith.constant 5.000000e-02 : f32
    %scan3A_6 = arith.constant 0 : i32
    %scan3A_7 = arith.constant 64 : i32
    %scan3A_8 = arith.addi %scan3A_6, %scan3A_7 : i32
    %scan3A_9 = arith.constant 1 : i32
    scf.for %scan3A_22 = %scan3A_6 to %scan3A_8 step %scan3A_9  : i32 {
      %mul3A_23 = arith.constant 16 : i32
      %mul3A_24 = arith.muli %scan3A_22, %mul3A_23 : i32
      %get3A = arith.constant 0 : i32
      %get3A_25 = arith.index_cast %get3A : i32 to index
      %get3A_26 = arith.index_cast %mul3A_24 : i32 to index
      %get3A_27 = tpu.vector_load %arg5[%get3A_25, %get3A_26] {strides = array<i32>} : memref<20x1024xi32, #tpu.memory_space<vmem>>, vector<16xi32>,
      %gather3A = tpu.vector_load_idx %arg6[%get3A_27] : memref<100000xf32, #tpu.memory_space<vmem>>[vector<16xi32>], vector<16xf32>,
      %get3A_28 = arith.constant 1 : i32
      %get3A_29 = arith.index_cast %get3A_28 : i32 to index
      %get3A_30 = arith.index_cast %mul3A_24 : i32 to index
      %get3A_31 = tpu.vector_load %arg5[%get3A_29, %get3A_30] {strides = array<i32>} : memref<20x1024xi32, #tpu.memory_space<vmem>>, vector<16xi32>,
      %gather3A_32 = tpu.vector_load_idx %arg6[%get3A_31] : memref<100000xf32, #tpu.memory_space<vmem>>[vector<16xi32>], vector<16xf32>,
      %get3A_33 = arith.constant 2 : i32
      %get3A_34 = arith.index_cast %get3A_33 : i32 to index
      %get3A_35 = arith.index_cast %mul3A_24 : i32 to index
      %get3A_36 = tpu.vector_load %arg5[%get3A_34, %get3A_35] {strides = array<i32>} : memref<20x1024xi32, #tpu.memory_space<vmem>>, vector<16xi32>,
      %gather3A_37 = tpu.vector_load_idx %arg6[%get3A_36] : memref<100000xf32, #tpu.memory_space<vmem>>[vector<16xi32>], vector<16xf32>,
      %get3A_38 = arith.constant 3 : i32
      %get3A_39 = arith.index_cast %get3A_38 : i32 to index
      %get3A_40 = arith.index_cast %mul3A_24 : i32 to index
      %get3A_41 = tpu.vector_load %arg5[%get3A_39, %get3A_40] {strides = array<i32>} : memref<20x1024xi32, #tpu.memory_space<vmem>>, vector<16xi32>,
      %gather3A_42 = tpu.vector_load_idx %arg6[%get3A_41] : memref<100000xf32, #tpu.memory_space<vmem>>[vector<16xi32>], vector<16xf32>,
      %get3A_43 = arith.constant 4 : i32
      %get3A_44 = arith.index_cast %get3A_43 : i32 to index
      %get3A_45 = arith.index_cast %mul3A_24 : i32 to index
      %get3A_46 = tpu.vector_load %arg5[%get3A_44, %get3A_45] {strides = array<i32>} : memref<20x1024xi32, #tpu.memory_space<vmem>>, vector<16xi32>,
      %gather3A_47 = tpu.vector_load_idx %arg6[%get3A_46] : memref<100000xf32, #tpu.memory_space<vmem>>[vector<16xi32>], vector<16xf32>,
      %get3A_48 = arith.constant 5 : i32
      %get3A_49 = arith.index_cast %get3A_48 : i32 to index
      %get3A_50 = arith.index_cast %mul3A_24 : i32 to index
      %get3A_51 = tpu.vector_load %arg5[%get3A_49, %get3A_50] {strides = array<i32>} : memref<20x1024xi32, #tpu.memory_space<vmem>>, vector<16xi32>,
      %gather3A_52 = tpu.vector_load_idx %arg6[%get3A_51] : memref<100000xf32, #tpu.memory_space<vmem>>[vector<16xi32>], vector<16xf32>,
      %get3A_53 = arith.constant 6 : i32
      %get3A_54 = arith.index_cast %get3A_53 : i32 to index
      %get3A_55 = arith.index_cast %mul3A_24 : i32 to index
      %get3A_56 = tpu.vector_load %arg5[%get3A_54, %get3A_55] {strides = array<i32>} : memref<20x1024xi32, #tpu.memory_space<vmem>>, vector<16xi32>,
      %gather3A_57 = tpu.vector_load_idx %arg6[%get3A_56] : memref<100000xf32, #tpu.memory_space<vmem>>[vector<16xi32>], vector<16xf32>,
      %get3A_58 = arith.constant 7 : i32
      %get3A_59 = arith.index_cast %get3A_58 : i32 to index
      %get3A_60 = arith.index_cast %mul3A_24 : i32 to index
      %get3A_61 = tpu.vector_load %arg5[%get3A_59, %get3A_60] {strides = array<i32>} : memref<20x1024xi32, #tpu.memory_space<vmem>>, vector<16xi32>,
      %gather3A_62 = tpu.vector_load_idx %arg6[%get3A_61] : memref<100000xf32, #tpu.memory_space<vmem>>[vector<16xi32>], vector<16xf32>,
      %get3A_63 = arith.constant 8 : i32
      %get3A_64 = arith.index_cast %get3A_63 : i32 to index
      %get3A_65 = arith.index_cast %mul3A_24 : i32 to index
      %get3A_66 = tpu.vector_load %arg5[%get3A_64, %get3A_65] {strides = array<i32>} : memref<20x1024xi32, #tpu.memory_space<vmem>>, vector<16xi32>,
      %gather3A_67 = tpu.vector_load_idx %arg6[%get3A_66] : memref<100000xf32, #tpu.memory_space<vmem>>[vector<16xi32>], vector<16xf32>,
      %get3A_68 = arith.constant 9 : i32
      %get3A_69 = arith.index_cast %get3A_68 : i32 to index
      %get3A_70 = arith.index_cast %mul3A_24 : i32 to index
      %get3A_71 = tpu.vector_load %arg5[%get3A_69, %get3A_70] {strides = array<i32>} : memref<20x1024xi32, #tpu.memory_space<vmem>>, vector<16xi32>,
      %gather3A_72 = tpu.vector_load_idx %arg6[%get3A_71] : memref<100000xf32, #tpu.memory_space<vmem>>[vector<16xi32>], vector<16xf32>,
      %get3A_73 = arith.constant 10 : i32
      %get3A_74 = arith.index_cast %get3A_73 : i32 to index
      %get3A_75 = arith.index_cast %mul3A_24 : i32 to index
      %get3A_76 = tpu.vector_load %arg5[%get3A_74, %get3A_75] {strides = array<i32>} : memref<20x1024xi32, #tpu.memory_space<vmem>>, vector<16xi32>,
      %gather3A_77 = tpu.vector_load_idx %arg6[%get3A_76] : memref<100000xf32, #tpu.memory_space<vmem>>[vector<16xi32>], vector<16xf32>,
      %get3A_78 = arith.constant 11 : i32
      %get3A_79 = arith.index_cast %get3A_78 : i32 to index
      %get3A_80 = arith.index_cast %mul3A_24 : i32 to index
      %get3A_81 = tpu.vector_load %arg5[%get3A_79, %get3A_80] {strides = array<i32>} : memref<20x1024xi32, #tpu.memory_space<vmem>>, vector<16xi32>,
      %gather3A_82 = tpu.vector_load_idx %arg6[%get3A_81] : memref<100000xf32, #tpu.memory_space<vmem>>[vector<16xi32>], vector<16xf32>,
      %get3A_83 = arith.constant 12 : i32
      %get3A_84 = arith.index_cast %get3A_83 : i32 to index
      %get3A_85 = arith.index_cast %mul3A_24 : i32 to index
      %get3A_86 = tpu.vector_load %arg5[%get3A_84, %get3A_85] {strides = array<i32>} : memref<20x1024xi32, #tpu.memory_space<vmem>>, vector<16xi32>,
      %gather3A_87 = tpu.vector_load_idx %arg6[%get3A_86] : memref<100000xf32, #tpu.memory_space<vmem>>[vector<16xi32>], vector<16xf32>,
      %get3A_88 = arith.constant 13 : i32
      %get3A_89 = arith.index_cast %get3A_88 : i32 to index
      %get3A_90 = arith.index_cast %mul3A_24 : i32 to index
      %get3A_91 = tpu.vector_load %arg5[%get3A_89, %get3A_90] {strides = array<i32>} : memref<20x1024xi32, #tpu.memory_space<vmem>>, vector<16xi32>,
      %gather3A_92 = tpu.vector_load_idx %arg6[%get3A_91] : memref<100000xf32, #tpu.memory_space<vmem>>[vector<16xi32>], vector<16xf32>,
      %get3A_93 = arith.constant 14 : i32
      %get3A_94 = arith.index_cast %get3A_93 : i32 to index
      %get3A_95 = arith.index_cast %mul3A_24 : i32 to index
      %get3A_96 = tpu.vector_load %arg5[%get3A_94, %get3A_95] {strides = array<i32>} : memref<20x1024xi32, #tpu.memory_space<vmem>>, vector<16xi32>,
      %gather3A_97 = tpu.vector_load_idx %arg6[%get3A_96] : memref<100000xf32, #tpu.memory_space<vmem>>[vector<16xi32>], vector<16xf32>,
      %get3A_98 = arith.constant 15 : i32
      %get3A_99 = arith.index_cast %get3A_98 : i32 to index
      %get3A_100 = arith.index_cast %mul3A_24 : i32 to index
      %get3A_101 = tpu.vector_load %arg5[%get3A_99, %get3A_100] {strides = array<i32>} : memref<20x1024xi32, #tpu.memory_space<vmem>>, vector<16xi32>,
      %gather3A_102 = tpu.vector_load_idx %arg6[%get3A_101] : memref<100000xf32, #tpu.memory_space<vmem>>[vector<16xi32>], vector<16xf32>,
      %get3A_103 = arith.constant 16 : i32
      %get3A_104 = arith.index_cast %get3A_103 : i32 to index
      %get3A_105 = arith.index_cast %mul3A_24 : i32 to index
      %get3A_106 = tpu.vector_load %arg5[%get3A_104, %get3A_105] {strides = array<i32>} : memref<20x1024xi32, #tpu.memory_space<vmem>>, vector<16xi32>,
      %gather3A_107 = tpu.vector_load_idx %arg6[%get3A_106] : memref<100000xf32, #tpu.memory_space<vmem>>[vector<16xi32>], vector<16xf32>,
      %get3A_108 = arith.constant 17 : i32
      %get3A_109 = arith.index_cast %get3A_108 : i32 to index
      %get3A_110 = arith.index_cast %mul3A_24 : i32 to index
      %get3A_111 = tpu.vector_load %arg5[%get3A_109, %get3A_110] {strides = array<i32>} : memref<20x1024xi32, #tpu.memory_space<vmem>>, vector<16xi32>,
      %gather3A_112 = tpu.vector_load_idx %arg6[%get3A_111] : memref<100000xf32, #tpu.memory_space<vmem>>[vector<16xi32>], vector<16xf32>,
      %get3A_113 = arith.constant 18 : i32
      %get3A_114 = arith.index_cast %get3A_113 : i32 to index
      %get3A_115 = arith.index_cast %mul3A_24 : i32 to index
      %get3A_116 = tpu.vector_load %arg5[%get3A_114, %get3A_115] {strides = array<i32>} : memref<20x1024xi32, #tpu.memory_space<vmem>>, vector<16xi32>,
      %gather3A_117 = tpu.vector_load_idx %arg6[%get3A_116] : memref<100000xf32, #tpu.memory_space<vmem>>[vector<16xi32>], vector<16xf32>,
      %get3A_118 = arith.constant 19 : i32
      %get3A_119 = arith.index_cast %get3A_118 : i32 to index
      %get3A_120 = arith.index_cast %mul3A_24 : i32 to index
      %get3A_121 = tpu.vector_load %arg5[%get3A_119, %get3A_120] {strides = array<i32>} : memref<20x1024xi32, #tpu.memory_space<vmem>>, vector<16xi32>,
      %gather3A_122 = tpu.vector_load_idx %arg6[%get3A_121] : memref<100000xf32, #tpu.memory_space<vmem>>[vector<16xi32>], vector<16xf32>,
      %add3A_123 = arith.addf %gather3A, %gather3A_32 : vector<16xf32>
      %add3A_124 = arith.addf %gather3A_37, %gather3A_42 : vector<16xf32>
      %add3A_125 = arith.addf %gather3A_47, %gather3A_52 : vector<16xf32>
      %add3A_126 = arith.addf %gather3A_57, %gather3A_62 : vector<16xf32>
      %add3A_127 = arith.addf %gather3A_67, %gather3A_72 : vector<16xf32>
      %add3A_128 = arith.addf %gather3A_77, %gather3A_82 : vector<16xf32>
      %add3A_129 = arith.addf %gather3A_87, %gather3A_92 : vector<16xf32>
      %add3A_130 = arith.addf %gather3A_97, %gather3A_102 : vector<16xf32>
      %add3A_131 = arith.addf %gather3A_107, %gather3A_112 : vector<16xf32>
      %add3A_132 = arith.addf %gather3A_117, %gather3A_122 : vector<16xf32>
      %add3A_133 = arith.addf %add3A_123, %add3A_124 : vector<16xf32>
      %add3A_134 = arith.addf %add3A_125, %add3A_126 : vector<16xf32>
      %add3A_135 = arith.addf %add3A_127, %add3A_128 : vector<16xf32>
      %add3A_136 = arith.addf %add3A_129, %add3A_130 : vector<16xf32>
      %add3A_137 = arith.addf %add3A_131, %add3A_132 : vector<16xf32>
      %add3A_138 = arith.addf %add3A_133, %add3A_134 : vector<16xf32>
      %add3A_139 = arith.addf %add3A_135, %add3A_136 : vector<16xf32>
      %add3A_140 = arith.addf %add3A_138, %add3A_139 : vector<16xf32>
      %add3A_141 = arith.addf %add3A_140, %add3A_137 : vector<16xf32>
      %mul3A_142 = vector.broadcast %scan3A_5 : f32 to vector<16xf32>
      %mul3A_143 = arith.mulf %add3A_141, %mul3A_142 : vector<16xf32>
      %swap3A = arith.index_cast %mul3A_24 : i32 to index
      %swap3A_144 = tpu.vector_load %arg7[%swap3A] {strides = array<i32>} : memref<1024xf32, #tpu.memory_space<vmem>>, vector<16xf32>,
      tpu.vector_store %arg7[%swap3A], %mul3A_143 {strides = array<i32>} : memref<1024xf32, #tpu.memory_space<vmem>>, vector<16xf32>,
    }
    %scan3A_10 = arith.constant 64 : i32
    "tpu.region"() ({
      %run_scoped3A = tpu.sem_alloc : memref<!tpu.dma_semaphore, #tpu.memory_space<semaphore_mem>>
      %dma_start3A = arith.constant 0 : i32
      %dma_start3A_22 = tpu.memref_slice %arg4[%add3A_4, %dma_start3A] : memref<64x1024xf32, #tpu.memory_space<hbm>> -> memref<1x1024xf32, #tpu.memory_space<hbm>>
      %dma_start3A_23 = tpu.memref_squeeze %dma_start3A_22 : memref<1x1024xf32, #tpu.memory_space<hbm>> -> memref<1024xf32, #tpu.memory_space<hbm>>
      %dma_start3A_24 = arith.constant 0 : i32
      %dma_start3A_25 = tpu.memref_slice %arg4[%add3A_4, %dma_start3A_24] : memref<64x1024xf32, #tpu.memory_space<hbm>> -> memref<1x1024xf32, #tpu.memory_space<hbm>>
      %dma_start3A_26 = tpu.memref_squeeze %dma_start3A_25 : memref<1x1024xf32, #tpu.memory_space<hbm>> -> memref<1024xf32, #tpu.memory_space<hbm>>
      tpu.enqueue_dma source(%arg7 : memref<1024xf32, #tpu.memory_space<vmem>>) target(%dma_start3A_26 : memref<1024xf32, #tpu.memory_space<hbm>>) target_semaphore(%run_scoped3A : memref<!tpu.dma_semaphore, #tpu.memory_space<semaphore_mem>>)
      %dma_wait3A = arith.constant 0 : i32
      %dma_wait3A_27 = tpu.memref_slice %arg4[%add3A_4, %dma_wait3A] : memref<64x1024xf32, #tpu.memory_space<hbm>> -> memref<1x1024xf32, #tpu.memory_space<hbm>>
      %dma_wait3A_28 = tpu.memref_squeeze %dma_wait3A_27 : memref<1x1024xf32, #tpu.memory_space<hbm>> -> memref<1024xf32, #tpu.memory_space<hbm>>
      %dma_wait3A_29 = arith.constant 0 : i32
      %dma_wait3A_30 = tpu.memref_slice %arg4[%add3A_4, %dma_wait3A_29] : memref<64x1024xf32, #tpu.memory_space<hbm>> -> memref<1x1024xf32, #tpu.memory_space<hbm>>
      %dma_wait3A_31 = tpu.memref_squeeze %dma_wait3A_30 : memref<1x1024xf32, #tpu.memory_space<hbm>> -> memref<1024xf32, #tpu.memory_space<hbm>>
      tpu.wait_dma2 semaphore(%run_scoped3A : memref<!tpu.dma_semaphore, #tpu.memory_space<semaphore_mem>>) src(%arg7 : memref<1024xf32, #tpu.memory_space<vmem>>) dst(%dma_wait3A_31 : memref<1024xf32, #tpu.memory_space<hbm>>)
      tpu.yield
    }) : () -> ()
    %mul3A_11 = arith.constant 2 : i32
    %mul3A_12 = arith.muli %add3A, %mul3A_11 : i32
    %add3A_13 = arith.constant 1 : i32
    %add3A_14 = arith.addi %mul3A_12, %add3A_13 : i32
    "tpu.region"() ({
      %run_scoped3A = tpu.sem_alloc : memref<!tpu.dma_semaphore, #tpu.memory_space<semaphore_mem>>
      %dma_start3A = arith.constant 0 : i32
      %dma_start3A_22 = tpu.memref_slice %arg3[%add3A_14, %dma_start3A] : memref<64x100000xf32, #tpu.memory_space<hbm>> -> memref<1x100000xf32, #tpu.memory_space<hbm>>
      %dma_start3A_23 = tpu.memref_squeeze %dma_start3A_22 : memref<1x100000xf32, #tpu.memory_space<hbm>> -> memref<100000xf32, #tpu.memory_space<hbm>>
      %dma_start3A_24 = arith.constant 0 : i32
      %dma_start3A_25 = tpu.memref_slice %arg3[%add3A_14, %dma_start3A_24] : memref<64x100000xf32, #tpu.memory_space<hbm>> -> memref<1x100000xf32, #tpu.memory_space<hbm>>
      %dma_start3A_26 = tpu.memref_squeeze %dma_start3A_25 : memref<1x100000xf32, #tpu.memory_space<hbm>> -> memref<100000xf32, #tpu.memory_space<hbm>>
      tpu.enqueue_dma source(%dma_start3A_26 : memref<100000xf32, #tpu.memory_space<hbm>>) target(%arg6 : memref<100000xf32, #tpu.memory_space<vmem>>) target_semaphore(%run_scoped3A : memref<!tpu.dma_semaphore, #tpu.memory_space<semaphore_mem>>)
      %dma_wait3A = arith.constant 0 : i32
      %dma_wait3A_27 = tpu.memref_slice %arg3[%add3A_14, %dma_wait3A] : memref<64x100000xf32, #tpu.memory_space<hbm>> -> memref<1x100000xf32, #tpu.memory_space<hbm>>
      %dma_wait3A_28 = tpu.memref_squeeze %dma_wait3A_27 : memref<1x100000xf32, #tpu.memory_space<hbm>> -> memref<100000xf32, #tpu.memory_space<hbm>>
      %dma_wait3A_29 = arith.constant 0 : i32
      %dma_wait3A_30 = tpu.memref_slice %arg3[%add3A_14, %dma_wait3A_29] : memref<64x100000xf32, #tpu.memory_space<hbm>> -> memref<1x100000xf32, #tpu.memory_space<hbm>>
      %dma_wait3A_31 = tpu.memref_squeeze %dma_wait3A_30 : memref<1x100000xf32, #tpu.memory_space<hbm>> -> memref<100000xf32, #tpu.memory_space<hbm>>
      tpu.wait_dma2 semaphore(%run_scoped3A : memref<!tpu.dma_semaphore, #tpu.memory_space<semaphore_mem>>) src(%dma_wait3A_31 : memref<100000xf32, #tpu.memory_space<hbm>>) dst(%arg6 : memref<100000xf32, #tpu.memory_space<vmem>>)
      tpu.yield
    }) : () -> ()
    %scan3A_15 = arith.constant 0 : i32
    %scan3A_16 = arith.constant 5.000000e-02 : f32
    %scan3A_17 = arith.constant 0 : i32
    %scan3A_18 = arith.constant 64 : i32
    %scan3A_19 = arith.addi %scan3A_17, %scan3A_18 : i32
    %scan3A_20 = arith.constant 1 : i32
    scf.for %scan3A_22 = %scan3A_17 to %scan3A_19 step %scan3A_20  : i32 {
      %mul3A_23 = arith.constant 16 : i32
      %mul3A_24 = arith.muli %scan3A_22, %mul3A_23 : i32
      %get3A = arith.constant 0 : i32
      %get3A_25 = arith.index_cast %get3A : i32 to index
      %get3A_26 = arith.index_cast %mul3A_24 : i32 to index
      %get3A_27 = tpu.vector_load %arg5[%get3A_25, %get3A_26] {strides = array<i32>} : memref<20x1024xi32, #tpu.memory_space<vmem>>, vector<16xi32>,
      %gather3A = tpu.vector_load_idx %arg6[%get3A_27] : memref<100000xf32, #tpu.memory_space<vmem>>[vector<16xi32>], vector<16xf32>,
      %get3A_28 = arith.constant 1 : i32
      %get3A_29 = arith.index_cast %get3A_28 : i32 to index
      %get3A_30 = arith.index_cast %mul3A_24 : i32 to index
      %get3A_31 = tpu.vector_load %arg5[%get3A_29, %get3A_30] {strides = array<i32>} : memref<20x1024xi32, #tpu.memory_space<vmem>>, vector<16xi32>,
      %gather3A_32 = tpu.vector_load_idx %arg6[%get3A_31] : memref<100000xf32, #tpu.memory_space<vmem>>[vector<16xi32>], vector<16xf32>,
      %get3A_33 = arith.constant 2 : i32
      %get3A_34 = arith.index_cast %get3A_33 : i32 to index
      %get3A_35 = arith.index_cast %mul3A_24 : i32 to index
      %get3A_36 = tpu.vector_load %arg5[%get3A_34, %get3A_35] {strides = array<i32>} : memref<20x1024xi32, #tpu.memory_space<vmem>>, vector<16xi32>,
      %gather3A_37 = tpu.vector_load_idx %arg6[%get3A_36] : memref<100000xf32, #tpu.memory_space<vmem>>[vector<16xi32>], vector<16xf32>,
      %get3A_38 = arith.constant 3 : i32
      %get3A_39 = arith.index_cast %get3A_38 : i32 to index
      %get3A_40 = arith.index_cast %mul3A_24 : i32 to index
      %get3A_41 = tpu.vector_load %arg5[%get3A_39, %get3A_40] {strides = array<i32>} : memref<20x1024xi32, #tpu.memory_space<vmem>>, vector<16xi32>,
      %gather3A_42 = tpu.vector_load_idx %arg6[%get3A_41] : memref<100000xf32, #tpu.memory_space<vmem>>[vector<16xi32>], vector<16xf32>,
      %get3A_43 = arith.constant 4 : i32
      %get3A_44 = arith.index_cast %get3A_43 : i32 to index
      %get3A_45 = arith.index_cast %mul3A_24 : i32 to index
      %get3A_46 = tpu.vector_load %arg5[%get3A_44, %get3A_45] {strides = array<i32>} : memref<20x1024xi32, #tpu.memory_space<vmem>>, vector<16xi32>,
      %gather3A_47 = tpu.vector_load_idx %arg6[%get3A_46] : memref<100000xf32, #tpu.memory_space<vmem>>[vector<16xi32>], vector<16xf32>,
      %get3A_48 = arith.constant 5 : i32
      %get3A_49 = arith.index_cast %get3A_48 : i32 to index
      %get3A_50 = arith.index_cast %mul3A_24 : i32 to index
      %get3A_51 = tpu.vector_load %arg5[%get3A_49, %get3A_50] {strides = array<i32>} : memref<20x1024xi32, #tpu.memory_space<vmem>>, vector<16xi32>,
      %gather3A_52 = tpu.vector_load_idx %arg6[%get3A_51] : memref<100000xf32, #tpu.memory_space<vmem>>[vector<16xi32>], vector<16xf32>,
      %get3A_53 = arith.constant 6 : i32
      %get3A_54 = arith.index_cast %get3A_53 : i32 to index
      %get3A_55 = arith.index_cast %mul3A_24 : i32 to index
      %get3A_56 = tpu.vector_load %arg5[%get3A_54, %get3A_55] {strides = array<i32>} : memref<20x1024xi32, #tpu.memory_space<vmem>>, vector<16xi32>,
      %gather3A_57 = tpu.vector_load_idx %arg6[%get3A_56] : memref<100000xf32, #tpu.memory_space<vmem>>[vector<16xi32>], vector<16xf32>,
      %get3A_58 = arith.constant 7 : i32
      %get3A_59 = arith.index_cast %get3A_58 : i32 to index
      %get3A_60 = arith.index_cast %mul3A_24 : i32 to index
      %get3A_61 = tpu.vector_load %arg5[%get3A_59, %get3A_60] {strides = array<i32>} : memref<20x1024xi32, #tpu.memory_space<vmem>>, vector<16xi32>,
      %gather3A_62 = tpu.vector_load_idx %arg6[%get3A_61] : memref<100000xf32, #tpu.memory_space<vmem>>[vector<16xi32>], vector<16xf32>,
      %get3A_63 = arith.constant 8 : i32
      %get3A_64 = arith.index_cast %get3A_63 : i32 to index
      %get3A_65 = arith.index_cast %mul3A_24 : i32 to index
      %get3A_66 = tpu.vector_load %arg5[%get3A_64, %get3A_65] {strides = array<i32>} : memref<20x1024xi32, #tpu.memory_space<vmem>>, vector<16xi32>,
      %gather3A_67 = tpu.vector_load_idx %arg6[%get3A_66] : memref<100000xf32, #tpu.memory_space<vmem>>[vector<16xi32>], vector<16xf32>,
      %get3A_68 = arith.constant 9 : i32
      %get3A_69 = arith.index_cast %get3A_68 : i32 to index
      %get3A_70 = arith.index_cast %mul3A_24 : i32 to index
      %get3A_71 = tpu.vector_load %arg5[%get3A_69, %get3A_70] {strides = array<i32>} : memref<20x1024xi32, #tpu.memory_space<vmem>>, vector<16xi32>,
      %gather3A_72 = tpu.vector_load_idx %arg6[%get3A_71] : memref<100000xf32, #tpu.memory_space<vmem>>[vector<16xi32>], vector<16xf32>,
      %get3A_73 = arith.constant 10 : i32
      %get3A_74 = arith.index_cast %get3A_73 : i32 to index
      %get3A_75 = arith.index_cast %mul3A_24 : i32 to index
      %get3A_76 = tpu.vector_load %arg5[%get3A_74, %get3A_75] {strides = array<i32>} : memref<20x1024xi32, #tpu.memory_space<vmem>>, vector<16xi32>,
      %gather3A_77 = tpu.vector_load_idx %arg6[%get3A_76] : memref<100000xf32, #tpu.memory_space<vmem>>[vector<16xi32>], vector<16xf32>,
      %get3A_78 = arith.constant 11 : i32
      %get3A_79 = arith.index_cast %get3A_78 : i32 to index
      %get3A_80 = arith.index_cast %mul3A_24 : i32 to index
      %get3A_81 = tpu.vector_load %arg5[%get3A_79, %get3A_80] {strides = array<i32>} : memref<20x1024xi32, #tpu.memory_space<vmem>>, vector<16xi32>,
      %gather3A_82 = tpu.vector_load_idx %arg6[%get3A_81] : memref<100000xf32, #tpu.memory_space<vmem>>[vector<16xi32>], vector<16xf32>,
      %get3A_83 = arith.constant 12 : i32
      %get3A_84 = arith.index_cast %get3A_83 : i32 to index
      %get3A_85 = arith.index_cast %mul3A_24 : i32 to index
      %get3A_86 = tpu.vector_load %arg5[%get3A_84, %get3A_85] {strides = array<i32>} : memref<20x1024xi32, #tpu.memory_space<vmem>>, vector<16xi32>,
      %gather3A_87 = tpu.vector_load_idx %arg6[%get3A_86] : memref<100000xf32, #tpu.memory_space<vmem>>[vector<16xi32>], vector<16xf32>,
      %get3A_88 = arith.constant 13 : i32
      %get3A_89 = arith.index_cast %get3A_88 : i32 to index
      %get3A_90 = arith.index_cast %mul3A_24 : i32 to index
      %get3A_91 = tpu.vector_load %arg5[%get3A_89, %get3A_90] {strides = array<i32>} : memref<20x1024xi32, #tpu.memory_space<vmem>>, vector<16xi32>,
      %gather3A_92 = tpu.vector_load_idx %arg6[%get3A_91] : memref<100000xf32, #tpu.memory_space<vmem>>[vector<16xi32>], vector<16xf32>,
      %get3A_93 = arith.constant 14 : i32
      %get3A_94 = arith.index_cast %get3A_93 : i32 to index
      %get3A_95 = arith.index_cast %mul3A_24 : i32 to index
      %get3A_96 = tpu.vector_load %arg5[%get3A_94, %get3A_95] {strides = array<i32>} : memref<20x1024xi32, #tpu.memory_space<vmem>>, vector<16xi32>,
      %gather3A_97 = tpu.vector_load_idx %arg6[%get3A_96] : memref<100000xf32, #tpu.memory_space<vmem>>[vector<16xi32>], vector<16xf32>,
      %get3A_98 = arith.constant 15 : i32
      %get3A_99 = arith.index_cast %get3A_98 : i32 to index
      %get3A_100 = arith.index_cast %mul3A_24 : i32 to index
      %get3A_101 = tpu.vector_load %arg5[%get3A_99, %get3A_100] {strides = array<i32>} : memref<20x1024xi32, #tpu.memory_space<vmem>>, vector<16xi32>,
      %gather3A_102 = tpu.vector_load_idx %arg6[%get3A_101] : memref<100000xf32, #tpu.memory_space<vmem>>[vector<16xi32>], vector<16xf32>,
      %get3A_103 = arith.constant 16 : i32
      %get3A_104 = arith.index_cast %get3A_103 : i32 to index
      %get3A_105 = arith.index_cast %mul3A_24 : i32 to index
      %get3A_106 = tpu.vector_load %arg5[%get3A_104, %get3A_105] {strides = array<i32>} : memref<20x1024xi32, #tpu.memory_space<vmem>>, vector<16xi32>,
      %gather3A_107 = tpu.vector_load_idx %arg6[%get3A_106] : memref<100000xf32, #tpu.memory_space<vmem>>[vector<16xi32>], vector<16xf32>,
      %get3A_108 = arith.constant 17 : i32
      %get3A_109 = arith.index_cast %get3A_108 : i32 to index
      %get3A_110 = arith.index_cast %mul3A_24 : i32 to index
      %get3A_111 = tpu.vector_load %arg5[%get3A_109, %get3A_110] {strides = array<i32>} : memref<20x1024xi32, #tpu.memory_space<vmem>>, vector<16xi32>,
      %gather3A_112 = tpu.vector_load_idx %arg6[%get3A_111] : memref<100000xf32, #tpu.memory_space<vmem>>[vector<16xi32>], vector<16xf32>,
      %get3A_113 = arith.constant 18 : i32
      %get3A_114 = arith.index_cast %get3A_113 : i32 to index
      %get3A_115 = arith.index_cast %mul3A_24 : i32 to index
      %get3A_116 = tpu.vector_load %arg5[%get3A_114, %get3A_115] {strides = array<i32>} : memref<20x1024xi32, #tpu.memory_space<vmem>>, vector<16xi32>,
      %gather3A_117 = tpu.vector_load_idx %arg6[%get3A_116] : memref<100000xf32, #tpu.memory_space<vmem>>[vector<16xi32>], vector<16xf32>,
      %get3A_118 = arith.constant 19 : i32
      %get3A_119 = arith.index_cast %get3A_118 : i32 to index
      %get3A_120 = arith.index_cast %mul3A_24 : i32 to index
      %get3A_121 = tpu.vector_load %arg5[%get3A_119, %get3A_120] {strides = array<i32>} : memref<20x1024xi32, #tpu.memory_space<vmem>>, vector<16xi32>,
      %gather3A_122 = tpu.vector_load_idx %arg6[%get3A_121] : memref<100000xf32, #tpu.memory_space<vmem>>[vector<16xi32>], vector<16xf32>,
      %add3A_123 = arith.addf %gather3A, %gather3A_32 : vector<16xf32>
      %add3A_124 = arith.addf %gather3A_37, %gather3A_42 : vector<16xf32>
      %add3A_125 = arith.addf %gather3A_47, %gather3A_52 : vector<16xf32>
      %add3A_126 = arith.addf %gather3A_57, %gather3A_62 : vector<16xf32>
      %add3A_127 = arith.addf %gather3A_67, %gather3A_72 : vector<16xf32>
      %add3A_128 = arith.addf %gather3A_77, %gather3A_82 : vector<16xf32>
      %add3A_129 = arith.addf %gather3A_87, %gather3A_92 : vector<16xf32>
      %add3A_130 = arith.addf %gather3A_97, %gather3A_102 : vector<16xf32>
      %add3A_131 = arith.addf %gather3A_107, %gather3A_112 : vector<16xf32>
      %add3A_132 = arith.addf %gather3A_117, %gather3A_122 : vector<16xf32>
      %add3A_133 = arith.addf %add3A_123, %add3A_124 : vector<16xf32>
      %add3A_134 = arith.addf %add3A_125, %add3A_126 : vector<16xf32>
      %add3A_135 = arith.addf %add3A_127, %add3A_128 : vector<16xf32>
      %add3A_136 = arith.addf %add3A_129, %add3A_130 : vector<16xf32>
      %add3A_137 = arith.addf %add3A_131, %add3A_132 : vector<16xf32>
      %add3A_138 = arith.addf %add3A_133, %add3A_134 : vector<16xf32>
      %add3A_139 = arith.addf %add3A_135, %add3A_136 : vector<16xf32>
      %add3A_140 = arith.addf %add3A_138, %add3A_139 : vector<16xf32>
      %add3A_141 = arith.addf %add3A_140, %add3A_137 : vector<16xf32>
      %mul3A_142 = vector.broadcast %scan3A_16 : f32 to vector<16xf32>
      %mul3A_143 = arith.mulf %add3A_141, %mul3A_142 : vector<16xf32>
      %swap3A = arith.index_cast %mul3A_24 : i32 to index
      %swap3A_144 = tpu.vector_load %arg7[%swap3A] {strides = array<i32>} : memref<1024xf32, #tpu.memory_space<vmem>>, vector<16xf32>,
      tpu.vector_store %arg7[%swap3A], %mul3A_143 {strides = array<i32>} : memref<1024xf32, #tpu.memory_space<vmem>>, vector<16xf32>,
    }
    %scan3A_21 = arith.constant 64 : i32
    "tpu.region"() ({
      %run_scoped3A = tpu.sem_alloc : memref<!tpu.dma_semaphore, #tpu.memory_space<semaphore_mem>>
      %dma_start3A = arith.constant 0 : i32
      %dma_start3A_22 = tpu.memref_slice %arg4[%add3A_14, %dma_start3A] : memref<64x1024xf32, #tpu.memory_space<hbm>> -> memref<1x1024xf32, #tpu.memory_space<hbm>>
      %dma_start3A_23 = tpu.memref_squeeze %dma_start3A_22 : memref<1x1024xf32, #tpu.memory_space<hbm>> -> memref<1024xf32, #tpu.memory_space<hbm>>
      %dma_start3A_24 = arith.constant 0 : i32
      %dma_start3A_25 = tpu.memref_slice %arg4[%add3A_14, %dma_start3A_24] : memref<64x1024xf32, #tpu.memory_space<hbm>> -> memref<1x1024xf32, #tpu.memory_space<hbm>>
      %dma_start3A_26 = tpu.memref_squeeze %dma_start3A_25 : memref<1x1024xf32, #tpu.memory_space<hbm>> -> memref<1024xf32, #tpu.memory_space<hbm>>
      tpu.enqueue_dma source(%arg7 : memref<1024xf32, #tpu.memory_space<vmem>>) target(%dma_start3A_26 : memref<1024xf32, #tpu.memory_space<hbm>>) target_semaphore(%run_scoped3A : memref<!tpu.dma_semaphore, #tpu.memory_space<semaphore_mem>>)
      %dma_wait3A = arith.constant 0 : i32
      %dma_wait3A_27 = tpu.memref_slice %arg4[%add3A_14, %dma_wait3A] : memref<64x1024xf32, #tpu.memory_space<hbm>> -> memref<1x1024xf32, #tpu.memory_space<hbm>>
      %dma_wait3A_28 = tpu.memref_squeeze %dma_wait3A_27 : memref<1x1024xf32, #tpu.memory_space<hbm>> -> memref<1024xf32, #tpu.memory_space<hbm>>
      %dma_wait3A_29 = arith.constant 0 : i32
      %dma_wait3A_30 = tpu.memref_slice %arg4[%add3A_14, %dma_wait3A_29] : memref<64x1024xf32, #tpu.memory_space<hbm>> -> memref<1x1024xf32, #tpu.memory_space<hbm>>
      %dma_wait3A_31 = tpu.memref_squeeze %dma_wait3A_30 : memref<1x1024xf32, #tpu.memory_space<hbm>> -> memref<1024xf32, #tpu.memory_space<hbm>>
      tpu.wait_dma2 semaphore(%run_scoped3A : memref<!tpu.dma_semaphore, #tpu.memory_space<semaphore_mem>>) src(%arg7 : memref<1024xf32, #tpu.memory_space<vmem>>) dst(%dma_wait3A_31 : memref<1024xf32, #tpu.memory_space<hbm>>)
      tpu.yield
    }) : () -> ()
    return
  }
}

module attributes {stable_mosaic.version = 14 : i64} {
  func.func @mm(%arg0: i32, %arg1: memref<64x1024xf32, #tpu.memory_space<vmem>>, %arg2: memref<64x4096xf32, #tpu.memory_space<vmem>>, %arg3: memref<1x4096xf32, #tpu.memory_space<vmem>>, %arg4: memref<4096x1024xf32, #tpu.memory_space<vmem>>) attributes {dimension_semantics = [#tpu.dimension_semantics<arbitrary>], iteration_bounds = array<i64: 25>, scalar_prefetch = 0 : i64, scratch_operands = 0 : i64, tpu.core_type = #tpu.core_type<tc>, window_params = [{pipeline_mode = #tpu.pipeline_mode<synchronous>, transform_indices = @transform_0, window_bounds = array<i64: 64, 1024>}, {transform_indices = @transform_1, window_bounds = array<i64: 64, 4096>}, {transform_indices = @transform_2, window_bounds = array<i64: 1, 4096>}, {transform_indices = @transform_3, window_bounds = array<i64: 4096, 1024>}]} {
    %get3A = arith.constant 0 : index
    %get3A_0 = arith.constant 0 : index
    %get3A_1 = vector.load %arg2[%get3A, %get3A_0] : memref<64x4096xf32, #tpu.memory_space<vmem>>, vector<64x4096xf32>
    %get3A_2 = arith.constant 0 : index
    %get3A_3 = arith.constant 0 : index
    %get3A_4 = vector.load %arg1[%get3A_2, %get3A_3] : memref<64x1024xf32, #tpu.memory_space<vmem>>, vector<64x1024xf32>
    %dot_general3A = arith.constant dense<0.000000e+00> : vector<4096x1024xf32>
    %dot_general3A_5 = tpu.matmul %get3A_1, %get3A_4, %dot_general3A {dimension_numbers = #tpu.dot_dimension_numbers<[0], [0], [1], [1], [0, 1, 1, 1], [], []>, transpose_lhs_hint = false} : vector<64x4096xf32>, vector<64x1024xf32>, vector<4096x1024xf32> -> vector<4096x1024xf32>
    %get3A_6 = arith.constant 0 : index
    %get3A_7 = arith.constant 0 : index
    %get3A_8 = vector.load %arg3[%get3A_6, %get3A_7] : memref<1x4096xf32, #tpu.memory_space<vmem>>, vector<1x4096xf32>
    %transpose3A = tpu.transpose %get3A_8, [1, 0] : vector<1x4096xf32> -> vector<4096x1xf32>
    %add3A = vector.broadcast %transpose3A : vector<4096x1xf32> to vector<4096x1024xf32>
    %add3A_9 = arith.addf %dot_general3A_5, %add3A : vector<4096x1024xf32>
    %swap3A = arith.constant 0 : index
    %swap3A_10 = arith.constant 0 : index
    %swap3A_11 = vector.load %arg4[%swap3A, %swap3A_10] : memref<4096x1024xf32, #tpu.memory_space<vmem>>, vector<4096x1024xf32>
    tpu.vector_store %arg4[%swap3A, %swap3A_10], %add3A_9 {strides = array<i32>} : memref<4096x1024xf32, #tpu.memory_space<vmem>>, vector<4096x1024xf32>,
    return
  }
  func.func @transform_0(%arg0: i32) -> (i32, i32) {
    %c0_i32 = arith.constant 0 : i32
    %c0_i32_0 = arith.constant 0 : i32
    %c0_i32_1 = arith.constant 0 : i32
    return %c0_i32, %c0_i32_0 : i32, i32
  }
  func.func @transform_1(%arg0: i32) -> (i32, i32) {
    %c0_i32 = arith.constant 0 : i32
    %c0_i32_0 = arith.constant 0 : i32
    return %c0_i32, %arg0 : i32, i32
  }
  func.func @transform_2(%arg0: i32) -> (i32, i32) {
    %c0_i32 = arith.constant 0 : i32
    %c0_i32_0 = arith.constant 0 : i32
    return %c0_i32, %arg0 : i32, i32
  }
  func.func @transform_3(%arg0: i32) -> (i32, i32) {
    %c0_i32 = arith.constant 0 : i32
    %c0_i32_0 = arith.constant 0 : i32
    return %arg0, %c0_i32 : i32, i32
  }
}

</mosaic_0001>

<sc_bundles>
// kernel: kernel.4.cloned.1.call-start
scs
__scs_entry_jumppad:
0x0: {  	(pc) =	sbr.rel $0x88, $3  }
0x1: {  	(tag) =	ssettag $0x0;
	lr =	simm.s32 $0x1  }
0x2: {  	[smem:$0x3F9D] =	sst lr;
	_ =	strace $0xD0000000  }
0x3: {  	_ = 	snop  }
0x4: {  	_ = 	snop  }
0x5: {  	_ = 	snop  }
0x6: {  	_ = 	snop  }
0x7: {  	_ = 	snop  }
__scs_overlays_trampoline_lowered:
0x8: {  	[smem:$0x3FAC] =	sst s0  }
0x9: {  	[smem:$0x3FAD] =	sst s1  }
0xa: {  	[smem:$0x3FAE] =	sst s2  }
0xb: {  	[smem:$0x3FAF] =	sst s3  }
0xc: {  	[smem:$0x3FB0] =	sst s4  }
0xd: {  	[smem:$0x3FB1] =	sst s5  }
0xe: {  	[smem:$0x3FB2] =	sst s6  }
0xf: {  	[smem:$0x3FB3] =	sst s7  }
0x10: {  	[smem:$0x3FB4] =	sst s8  }
0x11: {  	[smem:$0x3FB5] =	sst s9;
	s0 =	simm.s32 @!p0 $0x0  }
0x12: {  	s1 =	sld [smem:$0x3F9B];
	s0 =	simm.s32 @p0 $0x1  }
0x13: {  	[smem:$0x3FB6] =	sst s0;
	s0 =	simm.s32 @!p1 $0x0  }
0x14: {  	s2 =	sld [smem:$0x3F9A];
	s0 =	simm.s32 @p1 $0x1  }
0x15: {  	[smem:$0x3FB7] =	sst s0;
	s0 =	simm.s32 @!p2 $0x0  }
0x16: {  	s3 =	sld [smem:$0x3FDB];
	s0 =	simm.s32 @p2 $0x1  }
0x17: {  	s4 =	simm.s32 $0x1BF5;
	[smem:$0x3FB9] =	sst s0  }
0x18: {  	s0 =	sld [smem:$0x3F9C];
	_ =	swait.ge [sflag:s4], $0x0  }
0x19: {  	s7 =	sld [smem:$0x3F9D]  }
0x1a: {  	s8 =	sadd.s32 $0xFFFFE003, lr  }
0x1b: {  	s9 =	sadd.s32 $0xFFFFFEF7, lr;
	s5 =	simm.s32 $0xFFFFFFFF;
	p2 =	slt.u32 s8, $0xFFFFF086  }
0x1c: {  	p1 =	slt.u32 s9, $0xF7A;
	s5 =	simm.s32 @!p2 $0x0  }
0x1d: {  	s5 =	simm.s32 @p1 $0x1;
	p0 =	seq.s32 s7, s2  }
0x1e: {  	s7 =	smul.u32 @!p0 $0xF7A, s2;
	p2 =	seq.s32 @!p0 s5, $0x0  }
0x1f: {  	s9 =	smul.u32 $0xF7A, s1;
	s8 =	simm.s32 @!p0 $0x1BF5;
	p2 =	por !p2, p0  }
0x20: {  	[sflag:s8] =	ssyncset.s32 @!p0 $0xFFFFF086;
	s6 =	sadd.s32 @!p0 s3, s7;
	s7 =	simm.s32 @!p0 $0x108  }
0x21: {  	s3 =	sadd.s32 s3, s9;
	s6 =	sadd.s32 @!p0 $0x88, s6;
	s7 =	simm.s32 @p2 $0x1082  }
0x22: {  	[simem:s7], [sflag:s8] =	dma.local @!p0 [hbm:s6], $0xF7A  }
0x23: {  	s9 =	sor.u32 $0xD0000000, s2;
	s6 =	simm.s32 $0x108;
	_ =	swait.ge @!p0 [sflag:s8], $0x0  }
0x24: {  	s3 =	sadd.s32 $0x88, s3;
	s6 =	simm.s32 @!p1 $0x1082;
	[sflag:s4] =	ssyncset.s32 $0xFFFFF086  }
0x25: {  	[simem:s6], [sflag:s4] =	dma.local [hbm:s3], $0xF7A  }
0x26: {  	[smem:$0x3F9D] =	sst s1;
	(tag) =	ssettag s2;
	_ =	strace s9  }
0x27: {  	s1 =	sld [smem:$0x3FAD]  }
0x28: {  	s2 =	sld [smem:$0x3FAE]  }
0x29: {  	s4 =	sld [smem:$0x3FB0]  }
0x2a: {  	p0 =	seq.s32 s5, $0x0;
	s5 =	sld [smem:$0x3FB1]  }
0x2b: {  	s6 =	sld [smem:$0x3FB2]  }
0x2c: {  	s7 =	sld [smem:$0x3FB3]  }
0x2d: {  	s3 =	simm.s32 $0x108;
	s8 =	sld [smem:$0x3FB4]  }
0x2e: {  	s3 =	simm.s32 @!p0 $0x1082;
	s9 =	sld [smem:$0x3FB5]  }
0x2f: {  	lr =	sadd.s32 s0, s3;
	s0 =	sld [smem:$0x3FAC]  }
0x30: {  	s3 =	sld [smem:$0x3FAF]  }
0x31: {  	[smem:$0x3FB8] =	sst s10  }
0x32: {  	s10 =	sld [smem:$0x3FB6];
	_ =	sdelay $0x3  }
0x33: {  	p0 =	seq.s32 s10, $0x1;
	s10 =	sld [smem:$0x3FB8];
	_ =	sdelay $0x3  }
0x34: {  	[smem:$0x3FB8] =	sst s10  }
0x35: {  	s10 =	sld [smem:$0x3FB7];
	_ =	sdelay $0x3  }
0x36: {  	p1 =	seq.s32 s10, $0x1;
	s10 =	sld [smem:$0x3FB8];
	_ =	sdelay $0x3  }
0x37: {  	[smem:$0x3FB8] =	sst s10  }
0x38: {  	s10 =	sld [smem:$0x3FB9]  }
0x39: {  	_ = 	snop;
	(pc) =	sbr.ind lr, $3  }
0x3a: {  	_ = 	snop  }
0x3b: {  	_ = 	snop  }
0x3c: {  	p2 =	seq.s32 s10, $0x1;
	s10 =	sld [smem:$0x3FB8]  }
0x3d: {  	_ =	shalt  }
0x3e: {  	_ =	shalt  }
0x3f: {  	_ =	shalt  }
0x40: {  	_ =	shalt  }
0x41: {  	_ =	shalt  }
0x42: {  	_ =	shalt  }
0x43: {  	_ =	shalt  }
0x44: {  	_ =	shalt  }
0x45: {  	_ =	shalt  }
0x46: {  	_ =	shalt  }
0x47: {  	_ =	shalt  }
0x48: {  	_ =	shalt  }
0x49: {  	_ =	shalt  }
0x4a: {  	_ =	shalt  }
0x4b: {  	_ =	shalt  }
0x4c: {  	_ =	shalt  }
0x4d: {  	_ =	shalt  }
0x4e: {  	_ =	shalt  }
0x4f: {  	_ =	shalt  }
0x50: {  	_ =	shalt  }
0x51: {  	_ =	shalt  }
0x52: {  	_ =	shalt  }
0x53: {  	_ =	shalt  }
0x54: {  	_ =	shalt  }
0x55: {  	_ =	shalt  }
0x56: {  	_ =	shalt  }
0x57: {  	_ =	shalt  }
0x58: {  	_ =	shalt  }
0x59: {  	_ =	shalt  }
0x5a: {  	_ =	shalt  }
0x5b: {  	_ =	shalt  }
0x5c: {  	_ =	shalt  }
0x5d: {  	_ =	shalt  }
0x5e: {  	_ =	shalt  }
0x5f: {  	_ =	shalt  }
0x60: {  	_ =	shalt  }
0x61: {  	_ =	shalt  }
0x62: {  	_ =	shalt  }
0x63: {  	_ =	shalt  }
0x64: {  	_ =	shalt  }
0x65: {  	_ =	shalt  }
0x66: {  	_ =	shalt  }
0x67: {  	_ =	shalt  }
0x68: {  	_ =	shalt  }
0x69: {  	_ =	shalt  }
0x6a: {  	_ =	shalt  }
0x6b: {  	_ =	shalt  }
0x6c: {  	_ =	shalt  }
0x6d: {  	_ =	shalt  }
0x6e: {  	_ =	shalt  }
0x6f: {  	_ =	shalt  }
0x70: {  	_ =	shalt  }
0x71: {  	_ =	shalt  }
0x72: {  	_ =	shalt  }
0x73: {  	_ =	shalt  }
0x74: {  	_ =	shalt  }
0x75: {  	_ =	shalt  }
0x76: {  	_ =	shalt  }
0x77: {  	_ =	shalt  }
0x78: {  	_ =	shalt  }
0x79: {  	_ =	shalt  }
0x7a: {  	_ =	shalt  }
0x7b: {  	_ =	shalt  }
0x7c: {  	_ =	shalt  }
0x7d: {  	_ =	shalt  }
0x7e: {  	_ =	shalt  }
0x7f: {  	_ =	shalt  }
0x80: {  	_ =	shalt  }
0x81: {  	_ =	shalt  }
0x82: {  	_ =	shalt  }
0x83: {  	_ =	shalt  }
0x84: {  	_ =	shalt  }
0x85: {  	_ =	shalt  }
0x86: {  	_ =	shalt  }
0x87: {  	_ =	shalt  }
.Lfunc_end0:
.L_simem_size_0:
called_computation_lowered:
.L_overlay_start_0:
0x88: {  	s2 =	sld [smem:$0x3FD9]  }
0x89: {  	s3 =	sld [smem:$0x3FFE];
	_ =	sdelay $0x1  }
0x8a: {  	s1 =	srdreg.scid  }
0x8b: {  	s0 =	sand.u32 $0x1, s1  }
0x8c: {  	s17 =	sshll.u32 s0, $0xA;
	s2 =	sadd.s32 s3, s2  }
0x8d: {  	s2 =	sadd.s32 s2, s17  }
0x8e: {  	[smem:$0x3FC4] =	sst s2  }
0x8f: {  	_ = 	snop  }
0x90: {  	s2 =	sld [smem:$0x3FC9]  }
0x91: {  	s18 =	sld [smem:$0x3FC8];
	(tm) =	ssettm $0x1  }
0x92: {  	s4 =	sld [smem:$0x3FFB];
	_ =	sdelay $0x3  }
0x93: {  	_ =	strace s4  }
0x94: {  	s4 =	sld [smem:$0x3FFC];
	_ =	sdelay $0x3  }
0x95: {  	_ =	strace s4  }
0x96: {  	s4 =	sld [smem:$0x3FFD];
	_ =	sdelay $0x3  }
0x97: {  	_ =	strace s4  }
0x98: {  	_ =	strace $0x8FFFFFFF  }
0x99: {  	s19 =	sld [smem:$0x3FDB];
	_ =	sdelay $0x1  }
0x9a: {  	s5 =	simm.s32 $_scs_section_size  }
0x9b: {  	s6 =	simm.s32 $_size__tile_overlayer_lowered;
	s7 =	simm.s32 $_tile_overlayer_lowered  }
0x9c: {  	s22 =	simm.s32 $0x1BFF;
	s21 =	sshll.u32 s7, $0x1;
	s4 =	sadd.s32 s5, s19  }
0x9d: {  	s8 =	simm.s32 $0x0;
	s20 =	sshll.u32 s6, $0x1;
	s6 =	sadd.s32 s21, s4  }
0x9e: {  	[timem:s8], [sflag:s22] =	dma.local [hbm:s6], s20  }
0x9f: {  	_ =	swait.ge [sflag:s22], s20  }
0xa0: {  	s5 =	ssub.s32 $0x0, s20;
	[sflag:s22] =	ssyncset.done $0x0  }
0xa1: {  	[sflag:s22] =	ssyncadd.s32 s5;
	_ =	sdelay $0x1  }
0xa2: {  	s23 =	simm.s32 $0x1B8B  }
0xa3: {  	_ =	swait.ge [sflag:s23], $0x1  }
0xa4: {  	[sflag:s23] =	ssyncset.done $0x0  }
0xa5: {  	s25 =	simm.s32 $0x1B8E;
	s24 =	sld [smem:$0x3FFE];
	[sflag:s23] =	ssyncadd.s32 $0xFFFFFFFF  }
0xa6: {  	s26 =	simm.s32 $execute0_lowered;
	[smem:$0x3FD2] =	sst s25  }
0xa7: {  	s6 =	sshll.u32 s26, $0x1;
	_ =	strace $0x80000046;
	[dreg:$0x1] =	wrdreg $0xFFFFFFFF  }
0xa8: {  	s28 =	simm.s32 $_size_execute0_lowered;
	s4 =	sadd.s32 s4, s6;
	[dreg:$0x0] =	wrdreg $0x0  }
0xa9: {  	s6 =	sshll.u32 s28, $0x1;
	[dreg:$0x2] =	wrdreg s4  }
0xaa: {  	[dreg:$0x3] =	wrdreg s6  }
0xab: {  	[dreg:$0x4] =	wrdreg $0xC0  }
0xac: {  	_ =	task [dreg:s8], $0x5FFFF  }
0xad: {  	[dreg:$0x1] =	wrdreg $0xFFFFFFFF  }
0xae: {  	[dreg:$0x0] =	wrdreg $0x60  }
0xaf: {  	[dreg:$0x2] =	wrdreg s2  }
0xb0: {  	[dreg:$0x3] =	wrdreg s18  }
0xb1: {  	[dreg:$0x4] =	wrdreg s24  }
0xb2: {  	[dreg:$0x5] =	wrdreg $0x9  }
0xb3: {  	_ =	task.clear_ibuf [dreg:s8], $0x6FFFF;
	_ =	strace $0x90000046  }
0xb4: {  	s29 =	simm.s32 $0x9;
	_ =	strace $0x80000048  }
0xb5: {  	_ =	swait.ge [sflag:s29], $0x1  }
0xb6: {  	[sflag:s29] =	ssyncadd.s32 $0xFFFFFFFF  }
0xb7: {  	_ =	strace $0x90000048  }
0xb8: {  	_ =	sfence  }
0xb9: {  	s30 =	sld [smem:$0x0];
	_ =	sdelay $0x2  }
0xba: {  	s31 =	sshll.u32 s1, $0xD;
	s1 =	sshrl.u32 s1, $0x2  }
0xbb: {  	s3 =	sand.u32 $0x4000, s31;
	s1 =	sadd.s32 s1, s30  }
0xbc: {  	s0 =	sor.u32 s3, s0;
	s1 =	sshll.u32 s1, $0x11  }
0xbd: {  	s0 =	sor.u32 s1, s0  }
0xbe: {  	s0 =	sadd.s32 $0x8F2B, s0  }
0xbf: {  	[sflag:s0] =	ssyncadd.remote.s32 $0x1  }
0xc0: {  	_ =	sfence.sel $0xFFFF  }
0xc1: {  	[dreg:$0x0] =	wrdreg $0xFFFFFFFF;
	(pc) =	sbr.abs _section_cstart, $3  }
0xc2: {  	[dreg:$0x1] =	wrdreg $0xFFFFFFFF  }
0xc3: {  	_ =	task.clear_ibuf [dreg:s8], $0x2FFFF;
	_ =	strace $0x9FFFFFFF  }
0xc4: {  	(tm) =	ssettm $0x7FFFFFFF  }
0xc5: {  	_ =	shalt  }
tec
execute0_lowered:
.L_overlay_start_1:
0x0: {  	(tag) =	ssettag $0x1  }
0x1: {  	s1 =	rddreg [dreg:$0x0]  }
0x2: {  	s6 =	rddreg [dreg:$0x1]  }
0x3: {  	s4 =	rddreg [dreg:$0x2]  }
0x4: {  	s0 =	rddreg [dreg:$0x3];
	s3 =	simm.s32 $0x0  }
0x5: {  	s5 =	srdreg.scid;
	s2 =	stileid.u32;
	s13 =	simm.s32 $0x1E700  }
0x6: {  	s14 =	simm.s32 $0x0;
	[smem:$0x7FF] =	sst s3;
	s5 =	sand.u32 $0x1, s5  }
0x7: {  	s7 =	sshll.u32 s2, $0x9;
	s8 =	sshrl.u32 s2, $0x1;
	s26 =	sadd.s32 $0x600, s4  }
0x8: {  	s9 =	sshll.u32 s5, $0x8;
	s7 =	sand.u32 $0x200, s7;
	s10 =	smul.u32 $0xC3800, s8  }
0x9: {  	_ =	strace $0x80000047;
	s5 =	ssub.s32 $0x2, s5;
	s30 =	sshll.u32 s8, $0xD  }
0xa: {  	s7 =	sor.u32 s9, s7;
	s28 =	sshrl.u32 s5, $0x1;
	s9 =	simm.s32 $0x1  }
0xb: {  	s11 =	sor.u32 s10, s7;
	s12 =	ssub.s32 s5, s28;
	s8 =	sor.u32 s30, s7  }
0xc: {  	s7 =	sor.u32 $0x80, s7;
	s29 =	sshrl.u32 s11, $0x3;
	s8 =	sshrl.u32 s8, $0x3  }
0xd: {  	s10 =	sor.u32 s10, s7;
	s7 =	sor.u32 s30, s7;
	s11 =	simm.s32 $0x400  }
0xe: {  	s4 =	sadd.s32 s6, s29;
	s5 =	sadd.s32 s26, s8;
	s31 =	sshrl.u32 s10, $0x3  }
0xf: {  	s7 =	sshrl.u32 s7, $0x3;
	s8 =	smax.u32 s12, $0x1;
	s10 =	simm.s32 $0x80  }
0x10: {  	s12 =	simm.s32 $0x6000;
	s6 =	sadd.s32 s6, s31;
	s7 =	sadd.s32 s26, s7  }
.LBB2_1:
0x11: {  	[tilespmem:s3], [sflag:$0x1] =	stream.linear.gather [hbm4b:s1+s3], $0x6000, $0x38;
	[tilespmem:$0x1EB00] =	vst v63  }
0x12: {  	_ =	swait.ge [sflag:s9], $0x6000  }
0x13: {  	[sflag:s9] =	ssyncset.done $0x0  }
0x14: {  	[sflag:s9] =	ssyncadd.s32 $0xFFFFA000  }
0x15: {  	[tilespmem:s12], [sflag:$0x1] =	stream.strided.gather [hbm4b:s4+s10], $0x18700, s11, s10, $0x38;
	[tilespmem:$0x1EB00] =	vst v63  }
0x16: {  	_ =	swait.ge [sflag:s9], $0x18700  }
0x17: {  	s15 =	sand.u32 $0x70, s3;
	s16 =	sand.u32 $0x1C00, s3;
	[sflag:s9] =	ssyncset.done $0x0  }
0x18: {  	s15 =	sor.u32 s15, s16;
	[sflag:s9] =	ssyncadd.s32 $0xFFFE7900  }
0x19: {  	v2 =	vld [tilespmem:s15+$0x4100]  }
0x1a: {  	v1 =	vld [tilespmem:s15+$0x4080]  }
0x1b: {  	v0 =	vld [tilespmem:s15+$0x4000]  }
0x1c: {  	v4 =	vld [tilespmem:s15+$0x2100]  }
0x1d: {  	v5 =	vld [tilespmem:s15+$0x2180]  }
0x1e: {  	v14 =	vld [tilespmem:s15+$0x300]  }
0x1f: {  	v16 =	vld [tilespmem:s15+$0x180]  }
0x20: {  	v20 =	vld [tilespmem:s15+$0x280]  }
0x21: {  	v3 =	vld [tilespmem:s15+$0x4180]  }
0x22: {  	v13 =	vld [tilespmem:s15+$0x2380]  }
0x23: {  	v9 =	vld [tilespmem:s15+$0x380]  }
0x24: {  	v7 =	vld [tilespmem:s15+$0x200]  }
0x25: {  	v12 =	vld [tilespmem:s15+$0x80]  }
0x26: {  	v15 =	vld [tilespmem:s15+$0x2200]  }
0x27: {  	v11 =	vld [tilespmem:s15+$0x100]  }
0x28: {  	v10 =	vld [tilespmem:s15+$0x0]  }
0x29: {  	v18 =	vld [tilespmem:s15+$0x2300]  }
0x2a: {  	v17 =	vld [tilespmem:s15+$0x2000]  }
0x2b: {  	v19 =	vld [tilespmem:s15+$0x2280]  }
0x2c: {  	v6 =	vld.idx.msk [tilespmem:v4+s12+$0x0], $0xffff  }
0x2d: {  	v8 =	vld.idx.msk [tilespmem:v5+s12+$0x0], $0xffff  }
0x2e: {  	v5 =	vld [tilespmem:s15+$0x2080]  }
0x2f: {  	v4 =	vld.idx.msk [tilespmem:v16+s12+$0x0], $0xffff  }
0x30: {  	s17 =	simm.s32 $0x0;
	v16 =	vld.idx.msk [tilespmem:v14+s12+$0x0], $0xffff  }
0x31: {  	s18 =	simm.s32 $0x1E700;
	s16 =	simm.s32 $0x10;
	v14 =	vld.idx.msk [tilespmem:v20+s12+$0x0], $0xffff;
	s15 =	simm.s32 $0x1E700  }
.LBB2_2:
0x32: {  	p0 =	sne.s32 s16, $0x3F0;
	v13 =	vld.idx.msk [tilespmem:v13+s12+$0x0], $0xffff;
	s17 =	sadd.s32 $0x80, s17;
	s18 =	sadd.s32 $0x10, s18  }
0x33: {  	s19 =	smov.u32 s16;
	s16 =	sadd.s32 $0x10, s16;
	v15 =	vld.idx.msk [tilespmem:v15+s12+$0x0], $0xffff  }
0x34: {  	v9 =	vld.idx.msk [tilespmem:v9+s12+$0x0], $0xffff  }
0x35: {  	v12 =	vld.idx.msk [tilespmem:v12+s12+$0x0], $0xffff  }
0x36: {  	v7 =	vld.idx.msk [tilespmem:v7+s12+$0x0], $0xffff  }
0x37: {  	v6 =	vadd.f32 v8, v6;
	v18 =	vld.idx.msk [tilespmem:v18+s12+$0x0], $0xffff  }
0x38: {  	v8 =	vld.idx.msk [tilespmem:v17+s12+$0x0], $0xffff  }
0x39: {  	v17 =	vld.idx.msk [tilespmem:v19+s12+$0x0], $0xffff  }
0x3a: {  	v9 =	vadd.f32 v9, v16;
	v11 =	vld.idx.msk [tilespmem:v11+s12+$0x0], $0xffff  }
0x3b: {  	v10 =	vld.idx.msk [tilespmem:v10+s12+$0x0], $0xffff  }
0x3c: {  	v7 =	vadd.f32 v14, v7;
	v5 =	vld.idx.msk [tilespmem:v5+s12+$0x0], $0xffff  }
0x3d: {  	v13 =	vadd.f32 v13, v18;
	v2 =	vld.idx.msk [tilespmem:v2+s12+$0x0], $0xffff  }
0x3e: {  	v7 =	vadd.f32 v9, v7;
	v3 =	vld.idx.msk [tilespmem:v3+s12+$0x0], $0xffff  }
0x3f: {  	v9 =	vadd.f32 v17, v15;
	v1 =	vld.idx.msk [tilespmem:v1+s12+$0x0], $0xffff  }
0x40: {  	v4 =	vadd.f32 v4, v11;
	v0 =	vld.idx.msk [tilespmem:v0+s12+$0x0], $0xffff  }
0x41: {  	v10 =	vadd.f32 v12, v10  }
0x42: {  	v5 =	vadd.f32 v5, v8;
	v8 =	vadd.f32 v13, v9  }
0x43: {  	v4 =	vadd.f32 v4, v10  }
0x44: {  	v2 =	vadd.f32 v3, v2;
	v3 =	vadd.f32 v6, v5  }
0x45: {  	v4 =	vadd.f32 v7, v4  }
0x46: {  	v0 =	vadd.f32 v1, v0;
	v1 =	vadd.f32 v8, v3;
	_ =	sdelay $0x1  }
0x47: {  	v0 =	vadd.f32 v2, v0;
	v1 =	vadd.f32 v1, v4;
	_ =	sdelay $0x1  }
0x48: {  	v0 =	vadd.f32 v0, v1;
	_ =	sdelay $0x1  }
0x49: {  	s19 =	sand.u32 $0x70, s19;
	s20 =	sand.u32 $0x1C00, s17;
	v0 =	vmul.f32 $5.000000070e-02, v0  }
0x4a: {  	s19 =	sor.u32 s19, s20  }
0x4b: {  	[tilespmem:s15+$0x0] =	vst v0;
	s15 =	smov.u32 s18  }
0x4c: {  	v2 =	vld [tilespmem:s19+$0x4100]  }
0x4d: {  	v1 =	vld [tilespmem:s19+$0x4080]  }
0x4e: {  	v0 =	vld [tilespmem:s19+$0x4000]  }
0x4f: {  	v4 =	vld [tilespmem:s19+$0x2100]  }
0x50: {  	v5 =	vld [tilespmem:s19+$0x2180]  }
0x51: {  	v14 =	vld [tilespmem:s19+$0x300]  }
0x52: {  	v16 =	vld [tilespmem:s19+$0x180]  }
0x53: {  	v20 =	vld [tilespmem:s19+$0x280]  }
0x54: {  	v3 =	vld [tilespmem:s19+$0x4180]  }
0x55: {  	v13 =	vld [tilespmem:s19+$0x2380]  }
0x56: {  	v9 =	vld [tilespmem:s19+$0x380]  }
0x57: {  	v7 =	vld [tilespmem:s19+$0x200]  }
0x58: {  	v12 =	vld [tilespmem:s19+$0x80]  }
0x59: {  	v15 =	vld [tilespmem:s19+$0x2200]  }
0x5a: {  	v6 =	vld.idx.msk [tilespmem:v4+s12+$0x0], $0xffff  }
0x5b: {  	v8 =	vld.idx.msk [tilespmem:v5+s12+$0x0], $0xffff  }
0x5c: {  	v5 =	vld [tilespmem:s19+$0x2080]  }
0x5d: {  	v11 =	vld [tilespmem:s19+$0x100]  }
0x5e: {  	v10 =	vld [tilespmem:s19+$0x0]  }
0x5f: {  	v18 =	vld [tilespmem:s19+$0x2300]  }
.Ltmp0:
0x60: {  	v17 =	vld [tilespmem:s19+$0x2000];
	(pc) =	sbr.rel @p0 .LBB2_2-.Ltmp0, $4  }
0x61: {  	v4 =	vld.idx.msk [tilespmem:v16+s12+$0x0], $0xffff  }
0x62: {  	v19 =	vld [tilespmem:s19+$0x2280]  }
0x63: {  	v16 =	vld.idx.msk [tilespmem:v14+s12+$0x0], $0xffff  }
0x64: {  	v14 =	vld.idx.msk [tilespmem:v20+s12+$0x0], $0xffff  }
0x65: {  	_ =	sdelay $0x3  }
0x66: {  	v13 =	vld.idx.msk [tilespmem:v13+s12+$0x0], $0xffff  }
0x67: {  	v15 =	vld.idx.msk [tilespmem:v15+s12+$0x0], $0xffff  }
0x68: {  	v9 =	vld.idx.msk [tilespmem:v9+s12+$0x0], $0xffff  }
0x69: {  	v12 =	vld.idx.msk [tilespmem:v12+s12+$0x0], $0xffff  }
0x6a: {  	v7 =	vld.idx.msk [tilespmem:v7+s12+$0x0], $0xffff  }
0x6b: {  	v18 =	vld.idx.msk [tilespmem:v18+s12+$0x0], $0xffff  }
0x6c: {  	v17 =	vld.idx.msk [tilespmem:v17+s12+$0x0], $0xffff  }
0x6d: {  	v11 =	vld.idx.msk [tilespmem:v11+s12+$0x0], $0xffff  }
0x6e: {  	v10 =	vld.idx.msk [tilespmem:v10+s12+$0x0], $0xffff  }
0x6f: {  	v5 =	vld.idx.msk [tilespmem:v5+s12+$0x0], $0xffff  }
0x70: {  	v2 =	vld.idx.msk [tilespmem:v2+s12+$0x0], $0xffff  }
0x71: {  	v19 =	vld.idx.msk [tilespmem:v19+s12+$0x0], $0xffff  }
0x72: {  	v3 =	vld.idx.msk [tilespmem:v3+s12+$0x0], $0xffff  }
0x73: {  	v6 =	vadd.f32 v8, v6;
	v1 =	vld.idx.msk [tilespmem:v1+s12+$0x0], $0xffff;
	v8 =	vadd.f32 v9, v16  }
0x74: {  	v0 =	vld.idx.msk [tilespmem:v0+s12+$0x0], $0xffff;
	v7 =	vadd.f32 v14, v7;
	v9 =	vadd.f32 v13, v18  }
0x75: {  	v4 =	vadd.f32 v4, v11;
	v10 =	vadd.f32 v12, v10  }
0x76: {  	v5 =	vadd.f32 v5, v17;
	v11 =	vadd.f32 v19, v15  }
0x77: {  	v7 =	vadd.f32 v8, v7;
	v4 =	vadd.f32 v4, v10  }
0x78: {  	v5 =	vadd.f32 v6, v5;
	v8 =	vadd.f32 v9, v11  }
0x79: {  	v2 =	vadd.f32 v3, v2;
	v0 =	vadd.f32 v1, v0  }
0x7a: {  	v3 =	vadd.f32 v7, v4;
	v1 =	vadd.f32 v8, v5;
	_ =	sdelay $0x1  }
0x7b: {  	v0 =	vadd.f32 v2, v0;
	v1 =	vadd.f32 v1, v3;
	_ =	sdelay $0x1  }
0x7c: {  	v0 =	vadd.f32 v0, v1;
	_ =	sdelay $0x1  }
0x7d: {  	v0 =	vmul.f32 $5.000000070e-02, v0;
	_ =	sdelay $0x1  }
0x7e: {  	[tilespmem:s15+$0x0] =	vst v0;
	s15 =	simm.s32 $0x1E700  }
0x7f: {  	[hbm4b:s5+s10] =	stream.strided.scatter [tilespmem:s15], [sflag:$0x1], $0x400, s11, s10, $0x38;
	[tilespmem:$0x1EB00] =	vst v63  }
0x80: {  	_ =	swait.ge [sflag:s9], $0x400  }
0x81: {  	[sflag:s9] =	ssyncset.done $0x0  }
0x82: {  	[sflag:s9] =	ssyncadd.s32 $0xFFFFFC00  }
0x83: {  	[tilespmem:s12], [sflag:$0x1] =	stream.strided.gather [hbm4b:s6+s10], $0x18700, s11, s10, $0x38;
	[tilespmem:$0x1EB00] =	vst v63  }
0x84: {  	s17 =	simm.s32 $0x0;
	_ =	swait.ge [sflag:s9], $0x18700  }
0x85: {  	s16 =	sand.u32 $0x70, s17;
	s18 =	sand.u32 $0x1C00, s17;
	[sflag:s9] =	ssyncset.done $0x0  }
0x86: {  	s16 =	sor.u32 s16, s18;
	[sflag:s9] =	ssyncadd.s32 $0xFFFE7900  }
0x87: {  	v2 =	vld [tilespmem:s16+$0x4100]  }
0x88: {  	v1 =	vld [tilespmem:s16+$0x4080]  }
0x89: {  	v0 =	vld [tilespmem:s16+$0x4000]  }
0x8a: {  	v4 =	vld [tilespmem:s16+$0x2100]  }
0x8b: {  	v5 =	vld [tilespmem:s16+$0x2180]  }
0x8c: {  	v14 =	vld [tilespmem:s16+$0x300]  }
0x8d: {  	v16 =	vld [tilespmem:s16+$0x180]  }
0x8e: {  	v20 =	vld [tilespmem:s16+$0x280]  }
0x8f: {  	v3 =	vld [tilespmem:s16+$0x4180]  }
0x90: {  	v13 =	vld [tilespmem:s16+$0x2380]  }
0x91: {  	v9 =	vld [tilespmem:s16+$0x380]  }
0x92: {  	v7 =	vld [tilespmem:s16+$0x200]  }
0x93: {  	v12 =	vld [tilespmem:s16+$0x80]  }
0x94: {  	v15 =	vld [tilespmem:s16+$0x2200]  }
0x95: {  	v11 =	vld [tilespmem:s16+$0x100]  }
0x96: {  	v10 =	vld [tilespmem:s16+$0x0]  }
0x97: {  	v18 =	vld [tilespmem:s16+$0x2300]  }
0x98: {  	v17 =	vld [tilespmem:s16+$0x2000]  }
0x99: {  	v19 =	vld [tilespmem:s16+$0x2280]  }
0x9a: {  	v6 =	vld.idx.msk [tilespmem:v4+s12+$0x0], $0xffff  }
0x9b: {  	v8 =	vld.idx.msk [tilespmem:v5+s12+$0x0], $0xffff  }
0x9c: {  	v5 =	vld [tilespmem:s16+$0x2080]  }
0x9d: {  	v4 =	vld.idx.msk [tilespmem:v16+s12+$0x0], $0xffff  }
0x9e: {  	v16 =	vld.idx.msk [tilespmem:v14+s12+$0x0], $0xffff  }
0x9f: {  	s18 =	simm.s32 $0x10;
	v14 =	vld.idx.msk [tilespmem:v20+s12+$0x0], $0xffff;
	s16 =	simm.s32 $0x1E700  }
.LBB2_4:
0xa0: {  	p0 =	sne.s32 s18, $0x3F0;
	v13 =	vld.idx.msk [tilespmem:v13+s12+$0x0], $0xffff;
	s17 =	sadd.s32 $0x80, s17;
	s15 =	sadd.s32 $0x10, s15  }
0xa1: {  	s19 =	smov.u32 s18;
	s18 =	sadd.s32 $0x10, s18;
	v15 =	vld.idx.msk [tilespmem:v15+s12+$0x0], $0xffff  }
0xa2: {  	v9 =	vld.idx.msk [tilespmem:v9+s12+$0x0], $0xffff  }
0xa3: {  	v12 =	vld.idx.msk [tilespmem:v12+s12+$0x0], $0xffff  }
0xa4: {  	v7 =	vld.idx.msk [tilespmem:v7+s12+$0x0], $0xffff  }
0xa5: {  	v6 =	vadd.f32 v8, v6;
	v18 =	vld.idx.msk [tilespmem:v18+s12+$0x0], $0xffff  }
0xa6: {  	v8 =	vld.idx.msk [tilespmem:v17+s12+$0x0], $0xffff  }
0xa7: {  	v17 =	vld.idx.msk [tilespmem:v19+s12+$0x0], $0xffff  }
0xa8: {  	v9 =	vadd.f32 v9, v16;
	v11 =	vld.idx.msk [tilespmem:v11+s12+$0x0], $0xffff  }
0xa9: {  	v10 =	vld.idx.msk [tilespmem:v10+s12+$0x0], $0xffff  }
0xaa: {  	v7 =	vadd.f32 v14, v7;
	v5 =	vld.idx.msk [tilespmem:v5+s12+$0x0], $0xffff  }
0xab: {  	v13 =	vadd.f32 v13, v18;
	v2 =	vld.idx.msk [tilespmem:v2+s12+$0x0], $0xffff  }
0xac: {  	v7 =	vadd.f32 v9, v7;
	v3 =	vld.idx.msk [tilespmem:v3+s12+$0x0], $0xffff  }
0xad: {  	v9 =	vadd.f32 v17, v15;
	v1 =	vld.idx.msk [tilespmem:v1+s12+$0x0], $0xffff  }
0xae: {  	v4 =	vadd.f32 v4, v11;
	v0 =	vld.idx.msk [tilespmem:v0+s12+$0x0], $0xffff  }
0xaf: {  	v10 =	vadd.f32 v12, v10  }
0xb0: {  	v5 =	vadd.f32 v5, v8;
	v8 =	vadd.f32 v13, v9  }
0xb1: {  	v4 =	vadd.f32 v4, v10  }
0xb2: {  	v2 =	vadd.f32 v3, v2;
	v3 =	vadd.f32 v6, v5  }
0xb3: {  	v4 =	vadd.f32 v7, v4  }
0xb4: {  	v0 =	vadd.f32 v1, v0;
	v1 =	vadd.f32 v8, v3;
	_ =	sdelay $0x1  }
0xb5: {  	v0 =	vadd.f32 v2, v0;
	v1 =	vadd.f32 v1, v4;
	_ =	sdelay $0x1  }
0xb6: {  	v0 =	vadd.f32 v0, v1;
	_ =	sdelay $0x1  }
0xb7: {  	s19 =	sand.u32 $0x70, s19;
	s20 =	sand.u32 $0x1C00, s17;
	v0 =	vmul.f32 $5.000000070e-02, v0  }
0xb8: {  	s19 =	sor.u32 s19, s20  }
0xb9: {  	[tilespmem:s16+$0x0] =	vst v0;
	s16 =	smov.u32 s15  }
0xba: {  	v2 =	vld [tilespmem:s19+$0x4100]  }
0xbb: {  	v1 =	vld [tilespmem:s19+$0x4080]  }
0xbc: {  	v0 =	vld [tilespmem:s19+$0x4000]  }
0xbd: {  	v4 =	vld [tilespmem:s19+$0x2100]  }
0xbe: {  	v5 =	vld [tilespmem:s19+$0x2180]  }
0xbf: {  	v14 =	vld [tilespmem:s19+$0x300]  }
0xc0: {  	v16 =	vld [tilespmem:s19+$0x180]  }
0xc1: {  	v20 =	vld [tilespmem:s19+$0x280]  }
0xc2: {  	v3 =	vld [tilespmem:s19+$0x4180]  }
0xc3: {  	v13 =	vld [tilespmem:s19+$0x2380]  }
0xc4: {  	v9 =	vld [tilespmem:s19+$0x380]  }
0xc5: {  	v7 =	vld [tilespmem:s19+$0x200]  }
0xc6: {  	v12 =	vld [tilespmem:s19+$0x80]  }
0xc7: {  	v15 =	vld [tilespmem:s19+$0x2200]  }
0xc8: {  	v6 =	vld.idx.msk [tilespmem:v4+s12+$0x0], $0xffff  }
0xc9: {  	v8 =	vld.idx.msk [tilespmem:v5+s12+$0x0], $0xffff  }
0xca: {  	v5 =	vld [tilespmem:s19+$0x2080]  }
0xcb: {  	v11 =	vld [tilespmem:s19+$0x100]  }
0xcc: {  	v10 =	vld [tilespmem:s19+$0x0]  }
0xcd: {  	v18 =	vld [tilespmem:s19+$0x2300]  }
.Ltmp1:
0xce: {  	v17 =	vld [tilespmem:s19+$0x2000];
	(pc) =	sbr.rel @p0 .LBB2_4-.Ltmp1, $4  }
0xcf: {  	v4 =	vld.idx.msk [tilespmem:v16+s12+$0x0], $0xffff  }
0xd0: {  	v19 =	vld [tilespmem:s19+$0x2280]  }
0xd1: {  	v16 =	vld.idx.msk [tilespmem:v14+s12+$0x0], $0xffff  }
0xd2: {  	v14 =	vld.idx.msk [tilespmem:v20+s12+$0x0], $0xffff  }
0xd3: {  	_ =	sdelay $0x3  }
0xd4: {  	v13 =	vld.idx.msk [tilespmem:v13+s12+$0x0], $0xffff  }
0xd5: {  	v15 =	vld.idx.msk [tilespmem:v15+s12+$0x0], $0xffff  }
0xd6: {  	v9 =	vld.idx.msk [tilespmem:v9+s12+$0x0], $0xffff  }
0xd7: {  	v12 =	vld.idx.msk [tilespmem:v12+s12+$0x0], $0xffff  }
0xd8: {  	v7 =	vld.idx.msk [tilespmem:v7+s12+$0x0], $0xffff  }
0xd9: {  	v18 =	vld.idx.msk [tilespmem:v18+s12+$0x0], $0xffff  }
0xda: {  	v17 =	vld.idx.msk [tilespmem:v17+s12+$0x0], $0xffff  }
0xdb: {  	v11 =	vld.idx.msk [tilespmem:v11+s12+$0x0], $0xffff  }
0xdc: {  	v10 =	vld.idx.msk [tilespmem:v10+s12+$0x0], $0xffff  }
0xdd: {  	v5 =	vld.idx.msk [tilespmem:v5+s12+$0x0], $0xffff  }
0xde: {  	v2 =	vld.idx.msk [tilespmem:v2+s12+$0x0], $0xffff  }
0xdf: {  	v19 =	vld.idx.msk [tilespmem:v19+s12+$0x0], $0xffff  }
0xe0: {  	v3 =	vld.idx.msk [tilespmem:v3+s12+$0x0], $0xffff  }
0xe1: {  	v6 =	vadd.f32 v8, v6;
	v1 =	vld.idx.msk [tilespmem:v1+s12+$0x0], $0xffff;
	v58 =	vadd.f32 v9, v16  }
0xe2: {  	v0 =	vld.idx.msk [tilespmem:v0+s12+$0x0], $0xffff;
	v7 =	vadd.f32 v14, v7;
	v59 =	vadd.f32 v13, v18  }
0xe3: {  	v4 =	vadd.f32 v4, v11;
	v10 =	vadd.f32 v12, v10  }
0xe4: {  	v5 =	vadd.f32 v5, v17;
	v60 =	vadd.f32 v19, v15  }
0xe5: {  	v7 =	vadd.f32 v58, v7;
	v4 =	vadd.f32 v4, v10  }
0xe6: {  	v5 =	vadd.f32 v6, v5;
	v61 =	vadd.f32 v59, v60  }
0xe7: {  	v2 =	vadd.f32 v3, v2;
	v0 =	vadd.f32 v1, v0  }
0xe8: {  	v62 =	vadd.f32 v7, v4;
	v63 =	vadd.f32 v61, v5;
	_ =	sdelay $0x1  }
0xe9: {  	v0 =	vadd.f32 v2, v0;
	v1 =	vadd.f32 v63, v62;
	_ =	sdelay $0x1  }
0xea: {  	v0 =	vadd.f32 v0, v1;
	_ =	sdelay $0x1  }
0xeb: {  	s14 =	sadd.s32 $0x1, s14;
	v0 =	vmul.f32 $5.000000070e-02, v0  }
0xec: {  	p0 =	sne.s32 s14, s8  }
.Ltmp2:
0xed: {  	[tilespmem:s16+$0x0] =	vst v0;
	(pc) =	sbr.rel @p0 .LBB2_1-.Ltmp2, $4  }
0xee: {  	[hbm4b:s7+s10] =	stream.strided.scatter [tilespmem:s13], [sflag:$0x1], $0x400, s11, s10, $0x38;
	[tilespmem:$0x1EB00] =	vst v63  }
0xef: {  	_ =	swait.ge [sflag:s9], $0x400  }
0xf0: {  	[sflag:s9] =	ssyncset.done $0x0  }
0xf1: {  	[sflag:s9] =	ssyncadd.s32 $0xFFFFFC00  }
0xf2: {  	_ =	sfence.sel $0x180000  }
0xf3: {  	[bflag:$0x0] =	sbarrier.arrive $0xFFFF  }
0xf4: {  	p0 =	sne.s32 s2, $0x0;
	_ =	strace $0x90000047  }
0xf5: {  	s0 =	sadd.s32 @!p0 $0x100000, s0;
	[bflag:$0x2] =	sbarrier.arrive $0xFFFF  }
0xf6: {  	[sflag:s0] =	ssyncadd.tile.s32 @!p0 $0x1;
	_ =	shalt  }
.Lfunc_end2:
_tile_overlayer_lowered:
.L_overlay_start_2:
0xf7: {  	(tag) =	ssettag $0x2  }
0xf8: {  	s0 =	rddreg [dreg:$0x0];
	s2 =	stileid.u32  }
0xf9: {  	s1 =	rddreg [dreg:$0x1];
	p0 =	sne.s32 s2, $0x0  }
0xfa: {  	s3 =	rddreg [dreg:$0x2];
	[bflag:$0x3] =	sbarrier.arrive $0xFFFF;
	s2 =	simm.s32 @!p0 $0x1C01  }
0xfb: {  	[timem:s3], [sflag:s2] =	dma.local @!p0 [hbm:s0], s1  }
0xfc: {  	s0 =	simm.s32 @!p0 $0x1  }
0xfd: {  	_ =	swait.ge @!p0 [sflag:s0], s1  }
0xfe: {  	s1 =	ssub.s32 @!p0 $0x0, s1;
	[sflag:s0] =	ssyncset.done @!p0 $0x0  }
0xff: {  	[sflag:s0] =	ssyncadd.s32 @!p0 s1  }
0x100: {  	[bflag:$0x3] =	sbarrier.arrive $0xFFFF  }
0x101: {  	_ =	shalt  }

</sc_bundles>
